<compile_context>
chip_gen: v7x
topology: tpu7x:2x2x1
jax: 0.10.2.dev20260603
libtpu: 0.0.44.dev20260713+nightly
codegen_flags: <defaults>
</compile_context>

<pallas_src>
import functools

import jax
import jax.numpy as jnp
from jax import lax
from jax.experimental import pallas as pl
from jax.experimental.pallas import tpu as pltpu
from jax.experimental.pallas import tpu_sc as plsc

MAX_LEN = 512
D_MODEL = 64
BATCH = 16384

_B_SC = 6144
_B_TC = BATCH - _B_SC

_NUM_CORES = 1
_NUM_SUBCORES = 16
_NUM_WORKERS = _NUM_CORES * _NUM_SUBCORES
_B_PER_W = _B_SC // _NUM_WORKERS

_CHUNKS = 2
_C = _B_PER_W // _CHUNKS

_mesh = plsc.VectorSubcoreMesh(
    core_axis_name="c", subcore_axis_name="s",
    num_cores=_NUM_CORES, num_subcores=_NUM_SUBCORES,
)


@functools.partial(
    pl.kernel,
    out_type=jax.ShapeDtypeStruct((_B_SC, 128), jnp.float32),
    mesh=_mesh,
    compiler_params=pltpu.CompilerParams(use_tc_tiling_on_sc=False),
    scratch_types=[
        pltpu.VMEM((_B_PER_W,), jnp.int32),
        pltpu.VMEM((_CHUNKS, _C, D_MODEL), jnp.float32),
        [pltpu.SemaphoreType.DMA] * _CHUNKS,
        [pltpu.SemaphoreType.DMA] * _CHUNKS,
    ],
)
def _sc_gather(table_hbm, idx_hbm, out_hbm, idx_v, rows_v, gsems, wsems):
    wid = lax.axis_index("s") * _NUM_CORES + lax.axis_index("c")
    base = wid * _B_PER_W
    pltpu.sync_copy(idx_hbm.at[pl.ds(base, _B_PER_W)], idx_v)
    gathers = [
        pltpu.async_copy(
            table_hbm.at[idx_v.at[pl.ds(c * _C, _C)]], rows_v.at[c], gsems[c]
        )
        for c in range(_CHUNKS)
    ]
    writes = []
    for c in range(_CHUNKS):
        gathers[c].wait()
        writes.append(
            pltpu.async_copy(
                rows_v.at[c],
                out_hbm.at[pl.ds(base + c * _C, _C), pl.ds(0, D_MODEL)],
                wsems[c],
            )
        )
    for w in writes:
        w.wait()


_MM_B = 2048


def _onehot_mm_body(pos_ref, table_ref, out_ref):
    pos = pos_ref[...].reshape(1, _MM_B)
    rows = lax.broadcasted_iota(jnp.int32, (MAX_LEN, _MM_B), 0)
    onehot = jnp.where(rows == pos, 1.0, 0.0).astype(jnp.float32)
    tab = table_ref[...]
    hi = tab.astype(jnp.bfloat16).astype(jnp.float32)
    lo = tab - hi
    dims = (((0,), (0,)), ((), ()))
    out_ref[...] = lax.dot_general(
        hi, onehot, dims, preferred_element_type=jnp.float32
    ) + lax.dot_general(
        lo, onehot, dims, preferred_element_type=jnp.float32
    )


_onehot_mm = pl.pallas_call(
    _onehot_mm_body,
    grid=(_B_TC // _MM_B,),
    in_specs=[
        pl.BlockSpec((_MM_B,), lambda i: (i + _B_SC // _MM_B,)),
        pl.BlockSpec((MAX_LEN, D_MODEL), lambda i: (0, 0)),
    ],
    out_specs=pl.BlockSpec((D_MODEL, _MM_B), lambda i: (0, i + _B_SC // _MM_B)),
    out_shape=jax.ShapeDtypeStruct((D_MODEL, BATCH), jnp.float32),
)

_TC_ROWS = 3072


def _xpose_body(out_t_ref, in_ref, out_ref):
    out_ref[...] = in_ref[:, :D_MODEL].T


_xpose_merge = pl.pallas_call(
    _xpose_body,
    grid=(_B_SC // _TC_ROWS,),
    in_specs=[
        pl.BlockSpec(memory_space=pl.ANY),
        pl.BlockSpec((_TC_ROWS, 128), lambda i: (i, 0)),
    ],
    out_specs=pl.BlockSpec((D_MODEL, _TC_ROWS), lambda i: (0, i)),
    out_shape=jax.ShapeDtypeStruct((D_MODEL, BATCH), jnp.float32),
    input_output_aliases={0: 0},
)


def kernel(positions, table):
    pos = positions.astype(jnp.int32)
    staged = _sc_gather(table, pos)
    out_t = _onehot_mm(pos, table)
    out_t = _xpose_merge(out_t, staged)
    return out_t.T

# --- scband reference (transcript-rebuilt; emitter-appended) ---
"""Pipeline reference for scband-positional-encoder-17162689315437 (READ-ONLY COPY).

The authoritative reference and input builder live on the scoring server;
editing this copy changes nothing except your own understanding.
"""

import jax, jax.numpy as jnp
import numpy as np

MAX_LEN = 512
D_MODEL = 64
BATCH = 16384

def setup_inputs(seed: int = 0) -> dict:
    key = jax.random.key(seed)
    k1, k2 = jax.random.split(key)
    positions = jax.random.randint(k1, (BATCH,), 0, MAX_LEN, dtype=jnp.int64 if jax.config.jax_enable_x64 else jnp.int32)
    table = jax.random.normal(k2, (MAX_LEN, D_MODEL), dtype=jnp.float32)
    return {"positions": positions, "table": table}

def reference(positions, table):
    idx = jnp.clip(positions, 0, 511)
    return jnp.take(table, idx, axis=0)

if __name__ == "__main__":
    import jax
    _d = setup_inputs()
    print(jax.jit(kernel)(*tuple(_d.values())))

</pallas_src>

<mosaic_0001>
#map = affine_map<(d0, d1) -> (0, 0)>
#map1 = affine_map<(d0, d1) -> (0)>
module attributes {stable_mosaic.version = 14 : i64} {
  func.func @_sc_gather(%arg0: i32, %arg1: i32, %arg2: memref<512x64xf32, #tpu.memory_space<hbm>>, %arg3: memref<16384xi32, #tpu.memory_space<hbm>>, %arg4: memref<6144x128xf32, #tpu.memory_space<hbm>>, %arg5: memref<384xi32, #tpu.memory_space<vmem>>, %arg6: memref<2x192x64xf32, #tpu.memory_space<vmem>>, %arg7: memref<!tpu.dma_semaphore, #tpu.memory_space<semaphore_mem>>, %arg8: memref<!tpu.dma_semaphore, #tpu.memory_space<semaphore_mem>>, %arg9: memref<!tpu.dma_semaphore, #tpu.memory_space<semaphore_mem>>, %arg10: memref<!tpu.dma_semaphore, #tpu.memory_space<semaphore_mem>>) attributes {dimension_semantics = [#tpu.dimension_semantics<core_parallel>, #tpu.dimension_semantics<subcore_parallel>], iteration_bounds = array<i64: 1, 16>, scalar_prefetch = 0 : i64, scratch_operands = 6 : i64, tpu.core_type = #tpu.core_type<sc_vector_subcore>, window_params = [{transform_indices = #map}, {transform_indices = #map1}, {transform_indices = #map}]} {
    %mul3A = arith.constant 1 : i32
    %mul3A_0 = arith.muli %arg1, %mul3A : i32
    %add3A = arith.addi %mul3A_0, %arg0 : i32
    %mul3A_1 = arith.constant 384 : i32
    %mul3A_2 = arith.muli %add3A, %mul3A_1 : i32
    "tpu.region"() ({
      %run_scoped3A = tpu.sem_alloc : memref<!tpu.dma_semaphore, #tpu.memory_space<semaphore_mem>>
      %dma_start3A_97 = tpu.memref_slice %arg3[%mul3A_2] : memref<16384xi32, #tpu.memory_space<hbm>> -> memref<384xi32, #tpu.memory_space<hbm>>
      %dma_start3A_98 = tpu.memref_slice %arg3[%mul3A_2] : memref<16384xi32, #tpu.memory_space<hbm>> -> memref<384xi32, #tpu.memory_space<hbm>>
      tpu.enqueue_dma source(%dma_start3A_98 : memref<384xi32, #tpu.memory_space<hbm>>) target(%arg5 : memref<384xi32, #tpu.memory_space<vmem>>) target_semaphore(%run_scoped3A : memref<!tpu.dma_semaphore, #tpu.memory_space<semaphore_mem>>)
      %dma_wait3A_99 = tpu.memref_slice %arg3[%mul3A_2] : memref<16384xi32, #tpu.memory_space<hbm>> -> memref<384xi32, #tpu.memory_space<hbm>>
      %dma_wait3A_100 = tpu.memref_slice %arg3[%mul3A_2] : memref<16384xi32, #tpu.memory_space<hbm>> -> memref<384xi32, #tpu.memory_space<hbm>>
      tpu.wait_dma2 semaphore(%run_scoped3A : memref<!tpu.dma_semaphore, #tpu.memory_space<semaphore_mem>>) src(%dma_wait3A_100 : memref<384xi32, #tpu.memory_space<hbm>>) dst(%arg5 : memref<384xi32, #tpu.memory_space<vmem>>)
      tpu.yield
    }) : () -> ()
    %dma_start3A = arith.constant 0 : i32
    %dma_start3A_3 = arith.constant 0 : i32
    %dma_start3A_4 = arith.constant 0 : i32
    %dma_start3A_5 = tpu.memref_slice %arg6[%dma_start3A, %dma_start3A_3, %dma_start3A_4] : memref<2x192x64xf32, #tpu.memory_space<vmem>> -> memref<1x192x64xf32, #tpu.memory_space<vmem>>
    %dma_start3A_6 = tpu.memref_squeeze %dma_start3A_5 : memref<1x192x64xf32, #tpu.memory_space<vmem>> -> memref<192x64xf32, #tpu.memory_space<vmem>>
    %dma_start3A_7 = arith.constant 0 : i32
    %dma_start3A_8 = tpu.memref_slice %arg5[%dma_start3A_7] : memref<384xi32, #tpu.memory_space<vmem>> -> memref<192xi32, #tpu.memory_space<vmem>>
    %dma_start3A_9 = arith.constant 0 : i32
    %dma_start3A_10 = arith.constant 0 : i32
    %dma_start3A_11 = tpu.memref_slice %arg2[%dma_start3A_9, %dma_start3A_10] : memref<512x64xf32, #tpu.memory_space<hbm>> -> memref<512x64xf32, #tpu.memory_space<hbm>>
    tpu.enqueue_indirect_dma source(%dma_start3A_11 : memref<512x64xf32, #tpu.memory_space<hbm>>) target(%dma_start3A_6 : memref<192x64xf32, #tpu.memory_space<vmem>>) offsets(%dma_start3A_8 : memref<192xi32, #tpu.memory_space<vmem>>) semaphore(%arg7 : memref<!tpu.dma_semaphore, #tpu.memory_space<semaphore_mem>>)
    %dma_start3A_12 = arith.constant 1 : i32
    %dma_start3A_13 = arith.constant 0 : i32
    %dma_start3A_14 = arith.constant 0 : i32
    %dma_start3A_15 = tpu.memref_slice %arg6[%dma_start3A_12, %dma_start3A_13, %dma_start3A_14] : memref<2x192x64xf32, #tpu.memory_space<vmem>> -> memref<1x192x64xf32, #tpu.memory_space<vmem>>
    %dma_start3A_16 = tpu.memref_squeeze %dma_start3A_15 : memref<1x192x64xf32, #tpu.memory_space<vmem>> -> memref<192x64xf32, #tpu.memory_space<vmem>>
    %dma_start3A_17 = arith.constant 192 : i32
    %dma_start3A_18 = tpu.memref_slice %arg5[%dma_start3A_17] : memref<384xi32, #tpu.memory_space<vmem>> -> memref<192xi32, #tpu.memory_space<vmem>>
    %dma_start3A_19 = arith.constant 0 : i32
    %dma_start3A_20 = arith.constant 0 : i32
    %dma_start3A_21 = tpu.memref_slice %arg2[%dma_start3A_19, %dma_start3A_20] : memref<512x64xf32, #tpu.memory_space<hbm>> -> memref<512x64xf32, #tpu.memory_space<hbm>>
    tpu.enqueue_indirect_dma source(%dma_start3A_21 : memref<512x64xf32, #tpu.memory_space<hbm>>) target(%dma_start3A_16 : memref<192x64xf32, #tpu.memory_space<vmem>>) offsets(%dma_start3A_18 : memref<192xi32, #tpu.memory_space<vmem>>) semaphore(%arg8 : memref<!tpu.dma_semaphore, #tpu.memory_space<semaphore_mem>>)
    %dma_wait3A = arith.constant 0 : i32
    %dma_wait3A_22 = arith.constant 0 : i32
    %dma_wait3A_23 = arith.constant 0 : i32
    %dma_wait3A_24 = tpu.memref_slice %arg6[%dma_wait3A, %dma_wait3A_22, %dma_wait3A_23] : memref<2x192x64xf32, #tpu.memory_space<vmem>> -> memref<1x192x64xf32, #tpu.memory_space<vmem>>
    %dma_wait3A_25 = tpu.memref_squeeze %dma_wait3A_24 : memref<1x192x64xf32, #tpu.memory_space<vmem>> -> memref<192x64xf32, #tpu.memory_space<vmem>>
    %dma_wait3A_26 = arith.constant 0 : i32
    %dma_wait3A_27 = tpu.memref_slice %arg5[%dma_wait3A_26] : memref<384xi32, #tpu.memory_space<vmem>> -> memref<192xi32, #tpu.memory_space<vmem>>
    %dma_wait3A_28 = arith.constant 0 : i32
    %dma_wait3A_29 = arith.constant 0 : i32
    %dma_wait3A_30 = tpu.memref_slice %arg2[%dma_wait3A_28, %dma_wait3A_29] : memref<512x64xf32, #tpu.memory_space<hbm>> -> memref<512x64xf32, #tpu.memory_space<hbm>>
    tpu.wait_indirect_dma semaphore(%arg7 : memref<!tpu.dma_semaphore, #tpu.memory_space<semaphore_mem>>) src(%dma_wait3A_30 : memref<512x64xf32, #tpu.memory_space<hbm>>) dst(%dma_wait3A_25 : memref<192x64xf32, #tpu.memory_space<vmem>>)
    %add3A_31 = arith.constant 0 : i32
    %add3A_32 = arith.addi %mul3A_2, %add3A_31 : i32
    %dma_start3A_33 = arith.constant 0 : i32
    %dma_start3A_34 = arith.constant 0 : i32
    %dma_start3A_35 = arith.constant 0 : i32
    %dma_start3A_36 = tpu.memref_slice %arg6[%dma_start3A_33, %dma_start3A_34, %dma_start3A_35] : memref<2x192x64xf32, #tpu.memory_space<vmem>> -> memref<1x192x64xf32, #tpu.memory_space<vmem>>
    %dma_start3A_37 = tpu.memref_squeeze %dma_start3A_36 : memref<1x192x64xf32, #tpu.memory_space<vmem>> -> memref<192x64xf32, #tpu.memory_space<vmem>>
    %dma_start3A_38 = arith.constant 0 : i32
    %dma_start3A_39 = tpu.memref_slice %arg4[%add3A_32, %dma_start3A_38] : memref<6144x128xf32, #tpu.memory_space<hbm>> -> memref<192x64xf32, #tpu.memory_space<hbm>>
    %dma_start3A_40 = arith.constant 0 : i32
    %dma_start3A_41 = tpu.memref_slice %arg4[%add3A_32, %dma_start3A_40] : memref<6144x128xf32, #tpu.memory_space<hbm>> -> memref<192x64xf32, #tpu.memory_space<hbm>>
    %dma_start3A_42 = arith.constant 0 : i32
    %dma_start3A_43 = arith.constant 0 : i32
    %dma_start3A_44 = tpu.memref_slice %arg6[%dma_start3A_33, %dma_start3A_42, %dma_start3A_43] : memref<2x192x64xf32, #tpu.memory_space<vmem>> -> memref<1x192x64xf32, #tpu.memory_space<vmem>>
    %dma_start3A_45 = tpu.memref_squeeze %dma_start3A_44 : memref<1x192x64xf32, #tpu.memory_space<vmem>> -> memref<192x64xf32, #tpu.memory_space<vmem>>
    tpu.enqueue_dma source(%dma_start3A_45 : memref<192x64xf32, #tpu.memory_space<vmem>>) target(%dma_start3A_41 : memref<192x64xf32, #tpu.memory_space<hbm>>) target_semaphore(%arg9 : memref<!tpu.dma_semaphore, #tpu.memory_space<semaphore_mem>>)
    %dma_wait3A_46 = arith.constant 1 : i32
    %dma_wait3A_47 = arith.constant 0 : i32
    %dma_wait3A_48 = arith.constant 0 : i32
    %dma_wait3A_49 = tpu.memref_slice %arg6[%dma_wait3A_46, %dma_wait3A_47, %dma_wait3A_48] : memref<2x192x64xf32, #tpu.memory_space<vmem>> -> memref<1x192x64xf32, #tpu.memory_space<vmem>>
    %dma_wait3A_50 = tpu.memref_squeeze %dma_wait3A_49 : memref<1x192x64xf32, #tpu.memory_space<vmem>> -> memref<192x64xf32, #tpu.memory_space<vmem>>
    %dma_wait3A_51 = arith.constant 192 : i32
    %dma_wait3A_52 = tpu.memref_slice %arg5[%dma_wait3A_51] : memref<384xi32, #tpu.memory_space<vmem>> -> memref<192xi32, #tpu.memory_space<vmem>>
    %dma_wait3A_53 = arith.constant 0 : i32
    %dma_wait3A_54 = arith.constant 0 : i32
    %dma_wait3A_55 = tpu.memref_slice %arg2[%dma_wait3A_53, %dma_wait3A_54] : memref<512x64xf32, #tpu.memory_space<hbm>> -> memref<512x64xf32, #tpu.memory_space<hbm>>
    tpu.wait_indirect_dma semaphore(%arg8 : memref<!tpu.dma_semaphore, #tpu.memory_space<semaphore_mem>>) src(%dma_wait3A_55 : memref<512x64xf32, #tpu.memory_space<hbm>>) dst(%dma_wait3A_50 : memref<192x64xf32, #tpu.memory_space<vmem>>)
    %add3A_56 = arith.constant 192 : i32
    %add3A_57 = arith.addi %mul3A_2, %add3A_56 : i32
    %dma_start3A_58 = arith.constant 1 : i32
    %dma_start3A_59 = arith.constant 0 : i32
    %dma_start3A_60 = arith.constant 0 : i32
    %dma_start3A_61 = tpu.memref_slice %arg6[%dma_start3A_58, %dma_start3A_59, %dma_start3A_60] : memref<2x192x64xf32, #tpu.memory_space<vmem>> -> memref<1x192x64xf32, #tpu.memory_space<vmem>>
    %dma_start3A_62 = tpu.memref_squeeze %dma_start3A_61 : memref<1x192x64xf32, #tpu.memory_space<vmem>> -> memref<192x64xf32, #tpu.memory_space<vmem>>
    %dma_start3A_63 = arith.constant 0 : i32
    %dma_start3A_64 = tpu.memref_slice %arg4[%add3A_57, %dma_start3A_63] : memref<6144x128xf32, #tpu.memory_space<hbm>> -> memref<192x64xf32, #tpu.memory_space<hbm>>
    %dma_start3A_65 = arith.constant 0 : i32
    %dma_start3A_66 = tpu.memref_slice %arg4[%add3A_57, %dma_start3A_65] : memref<6144x128xf32, #tpu.memory_space<hbm>> -> memref<192x64xf32, #tpu.memory_space<hbm>>
    %dma_start3A_67 = arith.constant 0 : i32
    %dma_start3A_68 = arith.constant 0 : i32
    %dma_start3A_69 = tpu.memref_slice %arg6[%dma_start3A_58, %dma_start3A_67, %dma_start3A_68] : memref<2x192x64xf32, #tpu.memory_space<vmem>> -> memref<1x192x64xf32, #tpu.memory_space<vmem>>
    %dma_start3A_70 = tpu.memref_squeeze %dma_start3A_69 : memref<1x192x64xf32, #tpu.memory_space<vmem>> -> memref<192x64xf32, #tpu.memory_space<vmem>>
    tpu.enqueue_dma source(%dma_start3A_70 : memref<192x64xf32, #tpu.memory_space<vmem>>) target(%dma_start3A_66 : memref<192x64xf32, #tpu.memory_space<hbm>>) target_semaphore(%arg10 : memref<!tpu.dma_semaphore, #tpu.memory_space<semaphore_mem>>)
    %dma_wait3A_71 = arith.constant 0 : i32
    %dma_wait3A_72 = arith.constant 0 : i32
    %dma_wait3A_73 = arith.constant 0 : i32
    %dma_wait3A_74 = tpu.memref_slice %arg6[%dma_wait3A_71, %dma_wait3A_72, %dma_wait3A_73] : memref<2x192x64xf32, #tpu.memory_space<vmem>> -> memref<1x192x64xf32, #tpu.memory_space<vmem>>
    %dma_wait3A_75 = tpu.memref_squeeze %dma_wait3A_74 : memref<1x192x64xf32, #tpu.memory_space<vmem>> -> memref<192x64xf32, #tpu.memory_space<vmem>>
    %dma_wait3A_76 = arith.constant 0 : i32
    %dma_wait3A_77 = tpu.memref_slice %arg4[%add3A_32, %dma_wait3A_76] : memref<6144x128xf32, #tpu.memory_space<hbm>> -> memref<192x64xf32, #tpu.memory_space<hbm>>
    %dma_wait3A_78 = arith.constant 0 : i32
    %dma_wait3A_79 = tpu.memref_slice %arg4[%add3A_32, %dma_wait3A_78] : memref<6144x128xf32, #tpu.memory_space<hbm>> -> memref<192x64xf32, #tpu.memory_space<hbm>>
    %dma_wait3A_80 = arith.constant 0 : i32
    %dma_wait3A_81 = arith.constant 0 : i32
    %dma_wait3A_82 = tpu.memref_slice %arg6[%dma_wait3A_71, %dma_wait3A_80, %dma_wait3A_81] : memref<2x192x64xf32, #tpu.memory_space<vmem>> -> memref<1x192x64xf32, #tpu.memory_space<vmem>>
    %dma_wait3A_83 = tpu.memref_squeeze %dma_wait3A_82 : memref<1x192x64xf32, #tpu.memory_space<vmem>> -> memref<192x64xf32, #tpu.memory_space<vmem>>
    tpu.wait_dma2 semaphore(%arg9 : memref<!tpu.dma_semaphore, #tpu.memory_space<semaphore_mem>>) src(%dma_wait3A_83 : memref<192x64xf32, #tpu.memory_space<vmem>>) dst(%dma_wait3A_79 : memref<192x64xf32, #tpu.memory_space<hbm>>)
    %dma_wait3A_84 = arith.constant 1 : i32
    %dma_wait3A_85 = arith.constant 0 : i32
    %dma_wait3A_86 = arith.constant 0 : i32
    %dma_wait3A_87 = tpu.memref_slice %arg6[%dma_wait3A_84, %dma_wait3A_85, %dma_wait3A_86] : memref<2x192x64xf32, #tpu.memory_space<vmem>> -> memref<1x192x64xf32, #tpu.memory_space<vmem>>
    %dma_wait3A_88 = tpu.memref_squeeze %dma_wait3A_87 : memref<1x192x64xf32, #tpu.memory_space<vmem>> -> memref<192x64xf32, #tpu.memory_space<vmem>>
    %dma_wait3A_89 = arith.constant 0 : i32
    %dma_wait3A_90 = tpu.memref_slice %arg4[%add3A_57, %dma_wait3A_89] : memref<6144x128xf32, #tpu.memory_space<hbm>> -> memref<192x64xf32, #tpu.memory_space<hbm>>
    %dma_wait3A_91 = arith.constant 0 : i32
    %dma_wait3A_92 = tpu.memref_slice %arg4[%add3A_57, %dma_wait3A_91] : memref<6144x128xf32, #tpu.memory_space<hbm>> -> memref<192x64xf32, #tpu.memory_space<hbm>>
    %dma_wait3A_93 = arith.constant 0 : i32
    %dma_wait3A_94 = arith.constant 0 : i32
    %dma_wait3A_95 = tpu.memref_slice %arg6[%dma_wait3A_84, %dma_wait3A_93, %dma_wait3A_94] : memref<2x192x64xf32, #tpu.memory_space<vmem>> -> memref<1x192x64xf32, #tpu.memory_space<vmem>>
    %dma_wait3A_96 = tpu.memref_squeeze %dma_wait3A_95 : memref<1x192x64xf32, #tpu.memory_space<vmem>> -> memref<192x64xf32, #tpu.memory_space<vmem>>
    tpu.wait_dma2 semaphore(%arg10 : memref<!tpu.dma_semaphore, #tpu.memory_space<semaphore_mem>>) src(%dma_wait3A_96 : memref<192x64xf32, #tpu.memory_space<vmem>>) dst(%dma_wait3A_92 : memref<192x64xf32, #tpu.memory_space<hbm>>)
    return
  }
}

module attributes {stable_mosaic.version = 14 : i64} {
  func.func @_xpose_body(%arg0: i32, %arg1: memref<64x16384xf32, #tpu.memory_space<any>>, %arg2: memref<3072x128xf32, #tpu.memory_space<vmem>>, %arg3: memref<64x3072xf32, #tpu.memory_space<vmem>>) attributes {dimension_semantics = [#tpu.dimension_semantics<arbitrary>], iteration_bounds = array<i64: 2>, scalar_prefetch = 0 : i64, scratch_operands = 0 : i64, tpu.core_type = #tpu.core_type<tc>, window_params = [{}, {transform_indices = @transform_1, window_bounds = array<i64: 3072, 128>}, {transform_indices = @transform_2, window_bounds = array<i64: 64, 3072>}]} {
    %get3A = arith.constant 0 : index
    %get3A_0 = arith.constant 0 : index
    %get3A_1 = vector.load %arg2[%get3A, %get3A_0] : memref<3072x128xf32, #tpu.memory_space<vmem>>, vector<3072x64xf32>
    %transpose3A = tpu.transpose %get3A_1, [1, 0] : vector<3072x64xf32> -> vector<64x3072xf32>
    %swap3A = arith.constant 0 : index
    %swap3A_2 = arith.constant 0 : index
    %swap3A_3 = vector.load %arg3[%swap3A, %swap3A_2] : memref<64x3072xf32, #tpu.memory_space<vmem>>, vector<64x3072xf32>
    tpu.vector_store %arg3[%swap3A, %swap3A_2], %transpose3A {strides = array<i32>} : memref<64x3072xf32, #tpu.memory_space<vmem>>, vector<64x3072xf32>,
    return
  }
  func.func @transform_1(%arg0: i32) -> (i32, i32) {
    %c0_i32 = arith.constant 0 : i32
    %c0_i32_0 = arith.constant 0 : i32
    return %arg0, %c0_i32 : i32, i32
  }
  func.func @transform_2(%arg0: i32) -> (i32, i32) {
    %c0_i32 = arith.constant 0 : i32
    %c0_i32_0 = arith.constant 0 : i32
    return %c0_i32, %arg0 : i32, i32
  }
}

module attributes {stable_mosaic.version = 14 : i64} {
  func.func @_onehot_mm_body(%arg0: i32, %arg1: memref<2048xi32, #tpu.memory_space<vmem>>, %arg2: memref<512x64xf32, #tpu.memory_space<vmem>>, %arg3: memref<64x2048xf32, #tpu.memory_space<vmem>>) attributes {dimension_semantics = [#tpu.dimension_semantics<arbitrary>], iteration_bounds = array<i64: 5>, scalar_prefetch = 0 : i64, scratch_operands = 0 : i64, tpu.core_type = #tpu.core_type<tc>, window_params = [{transform_indices = @transform_0, window_bounds = array<i64: 2048>}, {pipeline_mode = #tpu.pipeline_mode<synchronous>, transform_indices = @transform_1, window_bounds = array<i64: 512, 64>}, {transform_indices = @transform_2, window_bounds = array<i64: 64, 2048>}]} {
    %get3A = arith.constant 0 : index
    %get3A_0 = vector.load %arg1[%get3A] : memref<2048xi32, #tpu.memory_space<vmem>>, vector<2048xi32>
    %reshape3A = vector.shape_cast %get3A_0 : vector<2048xi32> to vector<1x2048xi32>
    %iota3A = tpu.iota {dimensions = array<i32: 0>} : vector<512x2048xi32>
    %eq3A = vector.broadcast %reshape3A : vector<1x2048xi32> to vector<512x2048xi32>
    %eq3A_1 = arith.cmpi eq, %iota3A, %eq3A : vector<512x2048xi32>
    %jit3A = arith.constant 1.000000e+00 : f32
    %jit3A_2 = arith.constant 0.000000e+00 : f32
    %broadcast_in_dim3A = vector.broadcast %jit3A : f32 to vector<512x2048xf32>
    %broadcast_in_dim3A_3 = vector.broadcast %jit3A_2 : f32 to vector<512x2048xf32>
    %select_n3A = arith.select %eq3A_1, %broadcast_in_dim3A, %broadcast_in_dim3A_3 : vector<512x2048xi1>, vector<512x2048xf32>
    %get3A_4 = arith.constant 0 : index
    %get3A_5 = arith.constant 0 : index
    %get3A_6 = vector.load %arg2[%get3A_4, %get3A_5] : memref<512x64xf32, #tpu.memory_space<vmem>>, vector<512x64xf32>
    %convert_element_type3A = arith.truncf %get3A_6 : vector<512x64xf32> to vector<512x64xbf16>
    %convert_element_type3A_7 = arith.extf %convert_element_type3A : vector<512x64xbf16> to vector<512x64xf32>
    %sub3A = arith.subf %get3A_6, %convert_element_type3A_7 : vector<512x64xf32>
    %dot_general3A = arith.constant dense<0.000000e+00> : vector<64x2048xf32>
    %dot_general3A_8 = tpu.matmul %convert_element_type3A_7, %select_n3A, %dot_general3A {dimension_numbers = #tpu.dot_dimension_numbers<[0], [0], [1], [1], [0, 1, 1, 1], [], []>, transpose_lhs_hint = false} : vector<512x64xf32>, vector<512x2048xf32>, vector<64x2048xf32> -> vector<64x2048xf32>
    %dot_general3A_9 = arith.constant dense<0.000000e+00> : vector<64x2048xf32>
    %dot_general3A_10 = tpu.matmul %sub3A, %select_n3A, %dot_general3A_9 {dimension_numbers = #tpu.dot_dimension_numbers<[0], [0], [1], [1], [0, 1, 1, 1], [], []>, transpose_lhs_hint = false} : vector<512x64xf32>, vector<512x2048xf32>, vector<64x2048xf32> -> vector<64x2048xf32>
    %add3A = arith.addf %dot_general3A_8, %dot_general3A_10 : vector<64x2048xf32>
    %swap3A = arith.constant 0 : index
    %swap3A_11 = arith.constant 0 : index
    %swap3A_12 = vector.load %arg3[%swap3A, %swap3A_11] : memref<64x2048xf32, #tpu.memory_space<vmem>>, vector<64x2048xf32>
    tpu.vector_store %arg3[%swap3A, %swap3A_11], %add3A {strides = array<i32>} : memref<64x2048xf32, #tpu.memory_space<vmem>>, vector<64x2048xf32>,
    return
  }
  func.func @transform_0(%arg0: i32) -> i32 {
    %add3A = arith.constant 3 : i32
    %add3A_0 = arith.addi %arg0, %add3A : i32
    %c0_i32 = arith.constant 0 : i32
    return %add3A_0 : i32
  }
  func.func @transform_1(%arg0: i32) -> (i32, i32) {
    %c0_i32 = arith.constant 0 : i32
    %c0_i32_0 = arith.constant 0 : i32
    %c0_i32_1 = arith.constant 0 : i32
    return %c0_i32, %c0_i32_0 : i32, i32
  }
  func.func @transform_2(%arg0: i32) -> (i32, i32) {
    %add3A = arith.constant 3 : i32
    %add3A_0 = arith.addi %arg0, %add3A : i32
    %c0_i32 = arith.constant 0 : i32
    %c0_i32_1 = arith.constant 0 : i32
    return %c0_i32, %add3A_0 : i32, i32
  }
}

</mosaic_0001>

<sc_bundles>
// kernel: kernel.5.cloned.1.call-start
scs
__scs_entry_jumppad:
0x0: {  	(pc) =	sbr.rel $0x88, $3  }
0x1: {  	(tag) =	ssettag $0x0;
	lr =	simm.s32 $0x1  }
0x2: {  	[smem:$0x3F9F] =	sst lr;
	_ =	strace $0xD0000000  }
0x3: {  	_ = 	snop  }
0x4: {  	_ = 	snop  }
0x5: {  	_ = 	snop  }
0x6: {  	_ = 	snop  }
0x7: {  	_ = 	snop  }
__scs_overlays_trampoline_lowered:
0x8: {  	[smem:$0x3FAE] =	sst s0  }
0x9: {  	[smem:$0x3FAF] =	sst s1  }
0xa: {  	[smem:$0x3FB0] =	sst s2  }
0xb: {  	[smem:$0x3FB1] =	sst s3  }
0xc: {  	[smem:$0x3FB2] =	sst s4  }
0xd: {  	[smem:$0x3FB3] =	sst s5  }
0xe: {  	[smem:$0x3FB4] =	sst s6  }
0xf: {  	[smem:$0x3FB5] =	sst s7  }
0x10: {  	[smem:$0x3FB6] =	sst s8  }
0x11: {  	[smem:$0x3FB7] =	sst s9;
	s0 =	simm.s32 @!p0 $0x0  }
0x12: {  	s1 =	sld [smem:$0x3F9D];
	s0 =	simm.s32 @p0 $0x1  }
0x13: {  	[smem:$0x3FB8] =	sst s0;
	s0 =	simm.s32 @!p1 $0x0  }
0x14: {  	s2 =	sld [smem:$0x3F9C];
	s0 =	simm.s32 @p1 $0x1  }
0x15: {  	[smem:$0x3FB9] =	sst s0;
	s0 =	simm.s32 @!p2 $0x0  }
0x16: {  	s3 =	sld [smem:$0x3FDB];
	s0 =	simm.s32 @p2 $0x1  }
0x17: {  	s4 =	simm.s32 $0x1BF5;
	[smem:$0x3FBB] =	sst s0  }
0x18: {  	s0 =	sld [smem:$0x3F9E];
	_ =	swait.ge [sflag:s4], $0x0  }
0x19: {  	s7 =	sld [smem:$0x3F9F]  }
0x1a: {  	s8 =	sadd.s32 $0xFFFFE003, lr  }
0x1b: {  	s9 =	sadd.s32 $0xFFFFFEF7, lr;
	s5 =	simm.s32 $0xFFFFFFFF;
	p2 =	slt.u32 s8, $0xFFFFF086  }
0x1c: {  	p1 =	slt.u32 s9, $0xF7A;
	s5 =	simm.s32 @!p2 $0x0  }
0x1d: {  	s5 =	simm.s32 @p1 $0x1;
	p0 =	seq.s32 s7, s2  }
0x1e: {  	s7 =	smul.u32 @!p0 $0xF7A, s2;
	p2 =	seq.s32 @!p0 s5, $0x0  }
0x1f: {  	s9 =	smul.u32 $0xF7A, s1;
	s8 =	simm.s32 @!p0 $0x1BF5;
	p2 =	por !p2, p0  }
0x20: {  	[sflag:s8] =	ssyncset.s32 @!p0 $0xFFFFF086;
	s6 =	sadd.s32 @!p0 s3, s7;
	s7 =	simm.s32 @!p0 $0x108  }
0x21: {  	s3 =	sadd.s32 s3, s9;
	s6 =	sadd.s32 @!p0 $0x88, s6;
	s7 =	simm.s32 @p2 $0x1082  }
0x22: {  	[simem:s7], [sflag:s8] =	dma.local @!p0 [hbm:s6], $0xF7A  }
0x23: {  	s9 =	sor.u32 $0xD0000000, s2;
	s6 =	simm.s32 $0x108;
	_ =	swait.ge @!p0 [sflag:s8], $0x0  }
0x24: {  	s3 =	sadd.s32 $0x88, s3;
	s6 =	simm.s32 @!p1 $0x1082;
	[sflag:s4] =	ssyncset.s32 $0xFFFFF086  }
0x25: {  	[simem:s6], [sflag:s4] =	dma.local [hbm:s3], $0xF7A  }
0x26: {  	[smem:$0x3F9F] =	sst s1;
	(tag) =	ssettag s2;
	_ =	strace s9  }
0x27: {  	s1 =	sld [smem:$0x3FAF]  }
0x28: {  	s2 =	sld [smem:$0x3FB0]  }
0x29: {  	s4 =	sld [smem:$0x3FB2]  }
0x2a: {  	p0 =	seq.s32 s5, $0x0;
	s5 =	sld [smem:$0x3FB3]  }
0x2b: {  	s6 =	sld [smem:$0x3FB4]  }
0x2c: {  	s7 =	sld [smem:$0x3FB5]  }
0x2d: {  	s3 =	simm.s32 $0x108;
	s8 =	sld [smem:$0x3FB6]  }
0x2e: {  	s3 =	simm.s32 @!p0 $0x1082;
	s9 =	sld [smem:$0x3FB7]  }
0x2f: {  	lr =	sadd.s32 s0, s3;
	s0 =	sld [smem:$0x3FAE]  }
0x30: {  	s3 =	sld [smem:$0x3FB1]  }
0x31: {  	[smem:$0x3FBA] =	sst s10  }
0x32: {  	s10 =	sld [smem:$0x3FB8];
	_ =	sdelay $0x3  }
0x33: {  	p0 =	seq.s32 s10, $0x1;
	s10 =	sld [smem:$0x3FBA];
	_ =	sdelay $0x3  }
0x34: {  	[smem:$0x3FBA] =	sst s10  }
0x35: {  	s10 =	sld [smem:$0x3FB9];
	_ =	sdelay $0x3  }
0x36: {  	p1 =	seq.s32 s10, $0x1;
	s10 =	sld [smem:$0x3FBA];
	_ =	sdelay $0x3  }
0x37: {  	[smem:$0x3FBA] =	sst s10  }
0x38: {  	s10 =	sld [smem:$0x3FBB]  }
0x39: {  	_ = 	snop;
	(pc) =	sbr.ind lr, $3  }
0x3a: {  	_ = 	snop  }
0x3b: {  	_ = 	snop  }
0x3c: {  	p2 =	seq.s32 s10, $0x1;
	s10 =	sld [smem:$0x3FBA]  }
0x3d: {  	_ =	shalt  }
0x3e: {  	_ =	shalt  }
0x3f: {  	_ =	shalt  }
0x40: {  	_ =	shalt  }
0x41: {  	_ =	shalt  }
0x42: {  	_ =	shalt  }
0x43: {  	_ =	shalt  }
0x44: {  	_ =	shalt  }
0x45: {  	_ =	shalt  }
0x46: {  	_ =	shalt  }
0x47: {  	_ =	shalt  }
0x48: {  	_ =	shalt  }
0x49: {  	_ =	shalt  }
0x4a: {  	_ =	shalt  }
0x4b: {  	_ =	shalt  }
0x4c: {  	_ =	shalt  }
0x4d: {  	_ =	shalt  }
0x4e: {  	_ =	shalt  }
0x4f: {  	_ =	shalt  }
0x50: {  	_ =	shalt  }
0x51: {  	_ =	shalt  }
0x52: {  	_ =	shalt  }
0x53: {  	_ =	shalt  }
0x54: {  	_ =	shalt  }
0x55: {  	_ =	shalt  }
0x56: {  	_ =	shalt  }
0x57: {  	_ =	shalt  }
0x58: {  	_ =	shalt  }
0x59: {  	_ =	shalt  }
0x5a: {  	_ =	shalt  }
0x5b: {  	_ =	shalt  }
0x5c: {  	_ =	shalt  }
0x5d: {  	_ =	shalt  }
0x5e: {  	_ =	shalt  }
0x5f: {  	_ =	shalt  }
0x60: {  	_ =	shalt  }
0x61: {  	_ =	shalt  }
0x62: {  	_ =	shalt  }
0x63: {  	_ =	shalt  }
0x64: {  	_ =	shalt  }
0x65: {  	_ =	shalt  }
0x66: {  	_ =	shalt  }
0x67: {  	_ =	shalt  }
0x68: {  	_ =	shalt  }
0x69: {  	_ =	shalt  }
0x6a: {  	_ =	shalt  }
0x6b: {  	_ =	shalt  }
0x6c: {  	_ =	shalt  }
0x6d: {  	_ =	shalt  }
0x6e: {  	_ =	shalt  }
0x6f: {  	_ =	shalt  }
0x70: {  	_ =	shalt  }
0x71: {  	_ =	shalt  }
0x72: {  	_ =	shalt  }
0x73: {  	_ =	shalt  }
0x74: {  	_ =	shalt  }
0x75: {  	_ =	shalt  }
0x76: {  	_ =	shalt  }
0x77: {  	_ =	shalt  }
0x78: {  	_ =	shalt  }
0x79: {  	_ =	shalt  }
0x7a: {  	_ =	shalt  }
0x7b: {  	_ =	shalt  }
0x7c: {  	_ =	shalt  }
0x7d: {  	_ =	shalt  }
0x7e: {  	_ =	shalt  }
0x7f: {  	_ =	shalt  }
0x80: {  	_ =	shalt  }
0x81: {  	_ =	shalt  }
0x82: {  	_ =	shalt  }
0x83: {  	_ =	shalt  }
0x84: {  	_ =	shalt  }
0x85: {  	_ =	shalt  }
0x86: {  	_ =	shalt  }
0x87: {  	_ =	shalt  }
.Lfunc_end0:
.L_simem_size_0:
called_computation_lowered:
.L_overlay_start_0:
0x88: {  	s0 =	sld [smem:$0x3FD9]  }
0x89: {  	s1 =	sld [smem:$0x3FFE];
	_ =	sdelay $0x3  }
0x8a: {  	s0 =	sadd.s32 s1, s0  }
0x8b: {  	[smem:$0x3FC6] =	sst s0  }
0x8c: {  	_ = 	snop  }
0x8d: {  	s0 =	sld [smem:$0x3FC9];
	(tm) =	ssettm $0x1  }
0x8e: {  	s16 =	sld [smem:$0x3FFB];
	_ =	sdelay $0x3  }
0x8f: {  	_ =	strace s16  }
0x90: {  	s1 =	sld [smem:$0x3FFC];
	_ =	sdelay $0x3  }
0x91: {  	_ =	strace s1  }
0x92: {  	s1 =	sld [smem:$0x3FFD];
	_ =	sdelay $0x3  }
0x93: {  	_ =	strace s1  }
0x94: {  	_ =	strace $0x8FFFFFFF  }
0x95: {  	s17 =	sld [smem:$0x3FDB];
	_ =	sdelay $0x1  }
0x96: {  	s2 =	simm.s32 $_scs_section_size  }
0x97: {  	s3 =	simm.s32 $_size__tile_overlayer_lowered;
	s4 =	simm.s32 $_tile_overlayer_lowered  }
0x98: {  	s20 =	simm.s32 $0x1BFF;
	s19 =	sshll.u32 s4, $0x1;
	s1 =	sadd.s32 s2, s17  }
0x99: {  	s5 =	simm.s32 $0x0;
	s18 =	sshll.u32 s3, $0x1;
	s3 =	sadd.s32 s19, s1  }
0x9a: {  	[timem:s5], [sflag:s20] =	dma.local [hbm:s3], s18  }
0x9b: {  	_ =	swait.ge [sflag:s20], s18  }
0x9c: {  	s2 =	ssub.s32 $0x0, s18;
	[sflag:s20] =	ssyncset.done $0x0  }
0x9d: {  	[sflag:s20] =	ssyncadd.s32 s2;
	_ =	sdelay $0x1  }
0x9e: {  	s21 =	simm.s32 $0x1B8B  }
0x9f: {  	_ =	swait.ge [sflag:s21], $0x1  }
0xa0: {  	[sflag:s21] =	ssyncset.done $0x0  }
0xa1: {  	s23 =	simm.s32 $0x1B8E;
	s22 =	sld [smem:$0x3FFE];
	[sflag:s21] =	ssyncadd.s32 $0xFFFFFFFF  }
0xa2: {  	s24 =	simm.s32 $execute0_lowered;
	[smem:$0x3FD2] =	sst s23  }
0xa3: {  	s3 =	sshll.u32 s24, $0x1;
	_ =	strace $0x80000046;
	[dreg:$0x1] =	wrdreg $0xFFFFFFFF  }
0xa4: {  	s25 =	simm.s32 $_size_execute0_lowered;
	s1 =	sadd.s32 s1, s3;
	[dreg:$0x0] =	wrdreg $0x0  }
0xa5: {  	s3 =	sshll.u32 s25, $0x1;
	[dreg:$0x2] =	wrdreg s1  }
0xa6: {  	[dreg:$0x3] =	wrdreg s3  }
0xa7: {  	[dreg:$0x4] =	wrdreg $0xC0  }
0xa8: {  	_ =	task [dreg:s5], $0x5FFFF  }
0xa9: {  	[dreg:$0x1] =	wrdreg $0xFFFFFFFF  }
0xaa: {  	[dreg:$0x0] =	wrdreg $0x60  }
0xab: {  	[dreg:$0x2] =	wrdreg s22  }
0xac: {  	[dreg:$0x3] =	wrdreg s0  }
0xad: {  	[dreg:$0x4] =	wrdreg $0x9  }
0xae: {  	_ =	task.clear_ibuf [dreg:s5], $0x5FFFF;
	_ =	strace $0x90000046  }
0xaf: {  	s26 =	simm.s32 $0x9;
	_ =	strace $0x80000048  }
0xb0: {  	_ =	swait.ge [sflag:s26], $0x1  }
0xb1: {  	[sflag:s26] =	ssyncadd.s32 $0xFFFFFFFF  }
0xb2: {  	_ =	strace $0x90000048  }
0xb3: {  	_ =	sfence  }
0xb4: {  	s28 =	sld [smem:$0x0];
	_ =	sdelay $0x1  }
0xb5: {  	s29 =	srdreg.scid  }
0xb6: {  	s30 =	sshll.u32 s29, $0xD;
	s31 =	sshrl.u32 s29, $0x2  }
0xb7: {  	s2 =	sand.u32 $0x4000, s30;
	s1 =	sand.u32 $0x1, s29;
	s0 =	sadd.s32 s31, s28  }
0xb8: {  	s1 =	sor.u32 s2, s1;
	s0 =	sshll.u32 s0, $0x11  }
0xb9: {  	s0 =	sor.u32 s0, s1  }
0xba: {  	s0 =	sadd.s32 $0x8F2B, s0  }
0xbb: {  	[sflag:s0] =	ssyncadd.remote.s32 $0x1  }
0xbc: {  	_ =	sfence.sel $0xFFFF  }
0xbd: {  	[dreg:$0x0] =	wrdreg $0xFFFFFFFF;
	(pc) =	sbr.abs _section_cstart, $3  }
0xbe: {  	[dreg:$0x1] =	wrdreg $0xFFFFFFFF  }
0xbf: {  	_ =	task.clear_ibuf [dreg:s5], $0x2FFFF;
	_ =	strace $0x9FFFFFFF  }
0xc0: {  	(tm) =	ssettm $0x7FFFFFFF  }
0xc1: {  	_ =	shalt  }
tec
execute0_lowered:
.L_overlay_start_1:
0x0: {  	(tag) =	ssettag $0x1  }
0x1: {  	s0 =	rddreg [dreg:$0x0]  }
0x2: {  	s1 =	rddreg [dreg:$0x1];
	s2 =	stileid.u32  }
0x3: {  	s3 =	rddreg [dreg:$0x2];
	s4 =	simm.s32 $0x0;
	s5 =	smul.u32 $0x30, s2  }
0x4: {  	[smem:$0x7FF] =	sst s4  }
0x5: {  	s20 =	simm.s32 $0x5;
	_ =	strace $0x80000047;
	s1 =	sadd.s32 s1, s5  }
0x6: {  	[tilespmem:s4], [sflag:$0x5] =	stream.linear.gather [hbm4b:s1+s4], $0x180, $0x38;
	[tilespmem:$0x6180] =	vst v63  }
0x7: {  	_ =	swait.ge [sflag:s20], $0x180  }
0x8: {  	s22 =	simm.s32 $0xC0;
	[sflag:s20] =	ssyncset.done $0x0  }
0x9: {  	s6 =	simm.s32 $0x180;
	s21 =	sadd.s32 $0x800, s0;
	[sflag:s20] =	ssyncadd.s32 $0xFFFFFE80  }
0xa: {  	[tilespmem:s6], [sflag:$0x1] =	stream.indirect.gather [hbm4b:s21+s22], $0x40, s4, s22, $0xb8;
	[tilespmem:$0x6180] =	vst v63  }
0xb: {  	s23 =	simm.s32 $0x3180;
	s25 =	simm.s32 $0x1;
	s26 =	simm.s32 $0x40  }
0xc: {  	[tilespmem:s23], [sflag:$0x2] =	stream.indirect.gather [hbm4b:s21+s22], $0x40, s22, s22, $0xb8;
	[tilespmem:$0x6180] =	vst v63  }
0xd: {  	s7 =	simm.s32 $0x80;
	s24 =	smul.u32 $0x1800, s2;
	_ =	swait.ge [sflag:s25], $0x3000  }
0xe: {  	s29 =	simm.s32 $0x2;
	s0 =	sadd.s32 $0x1800, s0;
	[sflag:s25] =	ssyncset.done $0x0  }
0xf: {  	s28 =	smul.u32 $0xC000, s2;
	s1 =	sadd.s32 s0, s24;
	[sflag:s25] =	ssyncadd.s32 $0xFFFFD000  }
0x10: {  	[hbm4b:s1+s26] =	stream.strided.scatter [tilespmem:s6], [sflag:$0x3], $0x3000, s7, s26, $0x38;
	[tilespmem:$0x6180] =	vst v63  }
0x11: {  	s1 =	sshrl.u32 s28, $0x3;
	_ =	swait.ge [sflag:s29], $0x3000  }
0x12: {  	s0 =	sadd.s32 s0, s1;
	[sflag:s29] =	ssyncset.done $0x0  }
0x13: {  	s30 =	simm.s32 $0x3;
	s0 =	sadd.s32 $0xC00, s0;
	[sflag:s29] =	ssyncadd.s32 $0xFFFFD000  }
0x14: {  	[hbm4b:s0+s26] =	stream.strided.scatter [tilespmem:s23], [sflag:$0x4], $0x3000, s7, s26, $0x38;
	[tilespmem:$0x6180] =	vst v63  }
0x15: {  	_ =	swait.ge [sflag:s30], $0x3000  }
0x16: {  	[sflag:s30] =	ssyncset.done $0x0  }
0x17: {  	s31 =	simm.s32 $0x4;
	[sflag:s30] =	ssyncadd.s32 $0xFFFFD000  }
0x18: {  	_ =	swait.ge [sflag:s31], $0x3000  }
0x19: {  	[sflag:s31] =	ssyncset.done $0x0  }
0x1a: {  	[sflag:s31] =	ssyncadd.s32 $0xFFFFD000  }
0x1b: {  	_ =	sfence.sel $0x180000  }
0x1c: {  	[bflag:$0x0] =	sbarrier.arrive $0xFFFF  }
0x1d: {  	p0 =	sne.s32 s2, $0x0;
	_ =	strace $0x90000047  }
0x1e: {  	s0 =	sadd.s32 @!p0 $0x100000, s3;
	[bflag:$0x2] =	sbarrier.arrive $0xFFFF  }
0x1f: {  	[sflag:s0] =	ssyncadd.tile.s32 @!p0 $0x1;
	_ =	shalt  }
.Lfunc_end2:
_tile_overlayer_lowered:
.L_overlay_start_2:
0x20: {  	(tag) =	ssettag $0x2  }
0x21: {  	s0 =	rddreg [dreg:$0x0];
	s2 =	stileid.u32  }
0x22: {  	s1 =	rddreg [dreg:$0x1];
	p0 =	sne.s32 s2, $0x0  }
0x23: {  	s3 =	rddreg [dreg:$0x2];
	[bflag:$0x3] =	sbarrier.arrive $0xFFFF;
	s2 =	simm.s32 @!p0 $0x1C05  }
0x24: {  	[timem:s3], [sflag:s2] =	dma.local @!p0 [hbm:s0], s1  }
0x25: {  	s0 =	simm.s32 @!p0 $0x5  }
0x26: {  	_ =	swait.ge @!p0 [sflag:s0], s1  }
0x27: {  	s1 =	ssub.s32 @!p0 $0x0, s1;
	[sflag:s0] =	ssyncset.done @!p0 $0x0  }
0x28: {  	[sflag:s0] =	ssyncadd.s32 @!p0 s1  }
0x29: {  	[bflag:$0x3] =	sbarrier.arrive $0xFFFF  }
0x2a: {  	_ =	shalt  }

</sc_bundles>
